<compile_context>
chip_gen: v7x
topology: tpu7x:2x2x1
jax: 0.10.2.dev20260603
libtpu: 0.0.44.dev20260713+nightly
codegen_flags: <defaults>
</compile_context>

<pallas_src>
import functools

import jax
import jax.numpy as jnp
from jax import lax
from jax.experimental import pallas as pl
from jax.experimental.pallas import tpu as pltpu
from jax.experimental.pallas import tpu_sc as plsc

_NC = 2
_NS = 16
_NW = _NC * _NS
_T = 128
def _sc_aggregate(feat, src3, dst3, n_pad):
    n, d = feat.shape
    _, steps, t = src3.shape
    rows_per_tile = n_pad // _NS

    mesh = plsc.VectorSubcoreMesh(core_axis_name="c", subcore_axis_name="s")

    @functools.partial(
        pl.kernel,
        mesh=mesh,
        out_type=jax.ShapeDtypeStruct((_NC, n_pad, d), jnp.float32),
        scratch_types=[
            pltpu.VMEM((steps, t), jnp.int32),
            pltpu.VMEM((steps, t), jnp.int32),
            pltpu.VMEM((t, d), jnp.float32),
            pltpu.VMEM_SHARED((n_pad, d), jnp.float32),
            pltpu.SemaphoreType.DMA,
        ],
    )
    def agg_kernel(feat_hbm, src_hbm, dst_hbm, out_hbm,
                   src_v, dst_v, rows_v, agg_sh, sem):
        c = lax.axis_index("c")
        s = lax.axis_index("s")
        tid = c * _NS + s

        vecs_per_row = d // 16

        def zero_body(i, carry):
            r = i // vecs_per_row
            col = (i % vecs_per_row) * 16
            rows_v[r, pl.ds(col, 16)] = jnp.zeros((16,), jnp.float32)
            return carry

        lax.fori_loop(0, t * vecs_per_row, zero_body, 0)
        off = 0
        while off < rows_per_tile:
            cz = min(t, rows_per_tile - off)
            zsrc = rows_v if cz == t else rows_v.at[pl.ds(0, cz)]
            pltpu.sync_copy(zsrc,
                            agg_sh.at[pl.ds(s * rows_per_tile + off, cz)])
            off += cz
        plsc.subcore_barrier()

        pltpu.sync_copy(src_hbm.at[tid], src_v)
        pltpu.sync_copy(dst_hbm.at[tid], dst_v)

        def body(j, carry):
            pltpu.async_copy(feat_hbm.at[src_v.at[j]], rows_v, sem).wait()
            pltpu.sync_copy(rows_v, agg_sh.at[dst_v.at[j]], add=True)
            return carry

        lax.fori_loop(0, steps, body, 0)

        plsc.subcore_barrier()
        pltpu.sync_copy(agg_sh.at[pl.ds(s * rows_per_tile, rows_per_tile)],
                        out_hbm.at[c, pl.ds(s * rows_per_tile, rows_per_tile)])

    return agg_kernel(feat, src3, dst3)


def _tc_finish(partials, feat, deg, wt1, wt2):
    n, d = feat.shape
    r = 1000

    def body(p_ref, f_ref, deg_ref, w1_ref, w2_ref, o_ref):
        agg = p_ref[0] + p_ref[1]
        inv = 1.0 / jnp.maximum(deg_ref[...], 1.0)
        h = jnp.dot(agg * inv, w1_ref[...], preferred_element_type=jnp.float32)
        h = h + jnp.dot(f_ref[...], w2_ref[...],
                        preferred_element_type=jnp.float32)
        h = jnp.maximum(h, 0.0)
        nrm = jnp.sqrt(jnp.sum(h * h, axis=-1, keepdims=True))
        o_ref[...] = h / jnp.maximum(nrm, 1e-12)

    return pl.pallas_call(
        body,
        grid=(n // r,),
        in_specs=[
            pl.BlockSpec((_NC, r, d), lambda i: (0, i, 0)),
            pl.BlockSpec((r, d), lambda i: (i, 0)),
            pl.BlockSpec((r, 1), lambda i: (i, 0)),
            pl.BlockSpec((d, d), lambda i: (0, 0)),
            pl.BlockSpec((d, d), lambda i: (0, 0)),
        ],
        out_specs=pl.BlockSpec((r, d), lambda i: (i, 0)),
        out_shape=jax.ShapeDtypeStruct((n, d), jnp.float32),
    )(partials, feat, deg, wt1, wt2)


def kernel(feat, edge, degree, W):
    n, d = feat.shape
    e = edge.shape[0]

    n_pad = -(-n // (_NS * 8)) * (_NS * 8)
    e_pad = -(-e // (_NW * _T)) * (_NW * _T)
    pad = e_pad - e
    src = jnp.concatenate([edge[:, 0], jnp.zeros((pad,), jnp.int32)])
    dst = jnp.concatenate([edge[:, 1], jnp.full((pad,), n, jnp.int32)])
    steps = e_pad // (_NW * _T)
    src3 = src.reshape(_NW, steps, _T)
    dst3 = dst.reshape(_NW, steps, _T)

    partials = _sc_aggregate(feat, src3, dst3, n_pad)

    wt = W.T
    deg2 = degree.astype(jnp.float32).reshape(n, 1)
    return _tc_finish(partials, feat, deg2, wt[:d], wt[d:])

# --- scband reference (transcript-rebuilt; emitter-appended) ---
"""Pipeline reference for scband-graph-sage-layer-16415365006092 (READ-ONLY COPY).

The authoritative reference and input builder live on the scoring server;
editing this copy changes nothing except your own understanding.
"""

import jax, jax.numpy as jnp
import numpy as np

N = 10000
E = 320000
D_IN = 128
D_OUT = 128


def setup_inputs(seed: int = 0) -> dict:
    key = jax.random.key(seed)
    k1, k2, k3, k4 = jax.random.split(key, 4)
    feat = jax.random.normal(k1, (N, D_IN), dtype=jnp.float32)
    edge = jax.random.randint(k2, (E, 2), 0, N, dtype=jnp.int32)
    degree = jax.random.randint(k3, (N,), 0, 64, dtype=jnp.int32)
    # nn.Linear(2*dim_in, dim_out, bias=False): weight shape [dim_out, 2*dim_in]
    bound = 1.0 / np.sqrt(2 * D_IN)
    W = jax.random.uniform(k4, (D_OUT, 2 * D_IN), minval=-bound, maxval=bound, dtype=jnp.float32)
    return {"feat": feat, "edge": edge, "degree": degree, "W": W}


def reference(feat, edge, degree, W):
    # agg_vector.index_add_(0, edge[:,1], feat[edge[:,0]])
    gathered = jnp.take(feat, edge[:, 0], axis=0)
    agg = jnp.zeros_like(feat).at[edge[:, 1]].add(gathered)
    # mean aggregation: divide by clamped degree
    inv = (1.0 / jnp.clip(degree.astype(jnp.float32), 1.0, None))[:, None]
    cat = jnp.concatenate([agg * inv, feat], axis=-1)
    out = jax.nn.relu(cat @ W.T)
    # F.normalize(out, p=2, dim=-1) with eps=1e-12
    norm = jnp.linalg.norm(out, axis=-1, keepdims=True)
    return out / jnp.maximum(norm, 1e-12)

if __name__ == "__main__":
    import jax
    _d = setup_inputs()
    print(jax.jit(kernel)(*tuple(_d.values())))

</pallas_src>

<mosaic_0001>
#map = affine_map<(d0, d1) -> (0, 0)>
#map1 = affine_map<(d0, d1) -> (0, 0, 0)>
module attributes {stable_mosaic.version = 14 : i64} {
  func.func @agg_kernel(%arg0: i32, %arg1: i32, %arg2: memref<10000x128xf32, #tpu.memory_space<hbm>>, %arg3: memref<32x79x128xi32, #tpu.memory_space<hbm>>, %arg4: memref<32x79x128xi32, #tpu.memory_space<hbm>>, %arg5: memref<2x10112x128xf32, #tpu.memory_space<hbm>>, %arg6: memref<79x128xi32, #tpu.memory_space<vmem>>, %arg7: memref<79x128xi32, #tpu.memory_space<vmem>>, %arg8: memref<128x128xf32, #tpu.memory_space<vmem>>, %arg9: memref<10112x128xf32, #tpu.memory_space<vmem_shared>>, %arg10: memref<!tpu.dma_semaphore, #tpu.memory_space<semaphore_mem>>) attributes {dimension_semantics = [#tpu.dimension_semantics<core_parallel>, #tpu.dimension_semantics<subcore_parallel>], iteration_bounds = array<i64: 2, 16>, scalar_prefetch = 0 : i64, scratch_operands = 5 : i64, tpu.core_type = #tpu.core_type<sc_vector_subcore>, window_params = [{transform_indices = #map}, {transform_indices = #map1}, {transform_indices = #map1}, {transform_indices = #map1}]} {
    %mul3A = arith.constant 16 : i32
    %mul3A_0 = arith.muli %arg0, %mul3A : i32
    %add3A = arith.addi %mul3A_0, %arg1 : i32
    %scan3A = arith.constant 0 : i32
    %scan3A_1 = arith.constant 0 : i32
    %scan3A_2 = arith.constant 1024 : i32
    %scan3A_3 = arith.addi %scan3A_1, %scan3A_2 : i32
    %scan3A_4 = arith.constant 1 : i32
    scf.for %scan3A_37 = %scan3A_1 to %scan3A_3 step %scan3A_4  : i32 {
      %jit3A = arith.constant 8 : i32
      %div3A = arith.divsi %scan3A_37, %jit3A : i32
      %sign3A = arith.constant 0 : i32
      %sign3A_38 = arith.cmpi sgt, %scan3A_37, %sign3A : i32
      %sign3A_39 = arith.extui %sign3A_38 : i1 to i32
      %sign3A_40 = arith.constant 0 : i32
      %sign3A_41 = arith.cmpi slt, %scan3A_37, %sign3A_40 : i32
      %sign3A_42 = arith.extui %sign3A_41 : i1 to i32
      %sign3A_43 = arith.subi %sign3A_39, %sign3A_42 : i32
      %sign3A_44 = arith.constant 0 : i32
      %sign3A_45 = arith.cmpi sgt, %jit3A, %sign3A_44 : i32
      %sign3A_46 = arith.extui %sign3A_45 : i1 to i32
      %sign3A_47 = arith.constant 0 : i32
      %sign3A_48 = arith.cmpi slt, %jit3A, %sign3A_47 : i32
      %sign3A_49 = arith.extui %sign3A_48 : i1 to i32
      %sign3A_50 = arith.subi %sign3A_46, %sign3A_49 : i32
      %ne3A = arith.cmpi ne, %sign3A_43, %sign3A_50 : i32
      %rem3A = arith.remsi %scan3A_37, %jit3A : i32
      %ne3A_51 = arith.constant 0 : i32
      %ne3A_52 = arith.cmpi ne, %rem3A, %ne3A_51 : i32
      %and3A = arith.andi %ne3A, %ne3A_52 : i1
      %sub3A = arith.constant 1 : i32
      %sub3A_53 = arith.subi %div3A, %sub3A : i32
      %select_n3A = arith.select %and3A, %sub3A_53, %div3A : i32
      %jit3A_54 = arith.constant 8 : i32
      %eq3A = arith.constant 0 : i32
      %eq3A_55 = arith.cmpi eq, %jit3A_54, %eq3A : i32
      %jit3A_56 = arith.constant 1 : i32
      %select_n3A_57 = arith.select %eq3A_55, %jit3A_56, %jit3A_54 : i32
      %rem3A_58 = arith.remsi %scan3A_37, %select_n3A_57 : i32
      %ne3A_59 = arith.constant 0 : i32
      %ne3A_60 = arith.cmpi ne, %rem3A_58, %ne3A_59 : i32
      %lt3A = arith.constant 0 : i32
      %lt3A_61 = arith.cmpi slt, %rem3A_58, %lt3A : i32
      %lt3A_62 = arith.constant 0 : i32
      %lt3A_63 = arith.cmpi slt, %select_n3A_57, %lt3A_62 : i32
      %ne3A_64 = arith.xori %lt3A_61, %lt3A_63 : i1
      %and3A_65 = arith.andi %ne3A_64, %ne3A_60 : i1
      %add3A_66 = arith.addi %rem3A_58, %select_n3A_57 : i32
      %select_n3A_67 = arith.select %and3A_65, %add3A_66, %rem3A_58 : i32
      %mul3A_68 = arith.constant 16 : i32
      %mul3A_69 = arith.muli %select_n3A_67, %mul3A_68 : i32
      %broadcast_in_dim3A = arith.constant 0.000000e+00 : f32
      %broadcast_in_dim3A_70 = vector.broadcast %broadcast_in_dim3A : f32 to vector<16xf32>
      %swap3A = arith.index_cast %select_n3A : i32 to index
      %swap3A_71 = arith.index_cast %mul3A_69 : i32 to index
      %swap3A_72 = tpu.vector_load %arg8[%swap3A, %swap3A_71] {strides = array<i32>} : memref<128x128xf32, #tpu.memory_space<vmem>>, vector<1x16xf32>,
      %swap3A_73 = vector.shape_cast %swap3A_72 : vector<1x16xf32> to vector<16xf32>
      %swap3A_74 = vector.shape_cast %broadcast_in_dim3A_70 : vector<16xf32> to vector<1x16xf32>
      tpu.vector_store %arg8[%swap3A, %swap3A_71], %swap3A_74 {strides = array<i32>} : memref<128x128xf32, #tpu.memory_space<vmem>>, vector<1x16xf32>,
    }
    %scan3A_5 = arith.constant 1024 : i32
    %mul3A_6 = arith.constant 632 : i32
    %mul3A_7 = arith.muli %arg1, %mul3A_6 : i32
    %add3A_8 = arith.constant 0 : i32
    %add3A_9 = arith.addi %mul3A_7, %add3A_8 : i32
    "tpu.region"() ({
      %run_scoped3A = tpu.sem_alloc : memref<!tpu.dma_semaphore, #tpu.memory_space<semaphore_mem>>
      %dma_start3A = arith.constant 0 : i32
      %dma_start3A_37 = tpu.memref_slice %arg9[%add3A_9, %dma_start3A] : memref<10112x128xf32, #tpu.memory_space<vmem_shared>> -> memref<128x128xf32, #tpu.memory_space<vmem_shared>>
      %dma_start3A_38 = arith.constant 0 : i32
      %dma_start3A_39 = tpu.memref_slice %arg9[%add3A_9, %dma_start3A_38] : memref<10112x128xf32, #tpu.memory_space<vmem_shared>> -> memref<128x128xf32, #tpu.memory_space<vmem_shared>>
      tpu.enqueue_dma source(%arg8 : memref<128x128xf32, #tpu.memory_space<vmem>>) target(%dma_start3A_39 : memref<128x128xf32, #tpu.memory_space<vmem_shared>>) target_semaphore(%run_scoped3A : memref<!tpu.dma_semaphore, #tpu.memory_space<semaphore_mem>>)
      %dma_wait3A = arith.constant 0 : i32
      %dma_wait3A_40 = tpu.memref_slice %arg9[%add3A_9, %dma_wait3A] : memref<10112x128xf32, #tpu.memory_space<vmem_shared>> -> memref<128x128xf32, #tpu.memory_space<vmem_shared>>
      %dma_wait3A_41 = arith.constant 0 : i32
      %dma_wait3A_42 = tpu.memref_slice %arg9[%add3A_9, %dma_wait3A_41] : memref<10112x128xf32, #tpu.memory_space<vmem_shared>> -> memref<128x128xf32, #tpu.memory_space<vmem_shared>>
      tpu.wait_dma2 semaphore(%run_scoped3A : memref<!tpu.dma_semaphore, #tpu.memory_space<semaphore_mem>>) src(%arg8 : memref<128x128xf32, #tpu.memory_space<vmem>>) dst(%dma_wait3A_42 : memref<128x128xf32, #tpu.memory_space<vmem_shared>>)
      tpu.yield
    }) : () -> ()
    %mul3A_10 = arith.constant 632 : i32
    %mul3A_11 = arith.muli %arg1, %mul3A_10 : i32
    %add3A_12 = arith.constant 128 : i32
    %add3A_13 = arith.addi %mul3A_11, %add3A_12 : i32
    "tpu.region"() ({
      %run_scoped3A = tpu.sem_alloc : memref<!tpu.dma_semaphore, #tpu.memory_space<semaphore_mem>>
      %dma_start3A = arith.constant 0 : i32
      %dma_start3A_37 = tpu.memref_slice %arg9[%add3A_13, %dma_start3A] : memref<10112x128xf32, #tpu.memory_space<vmem_shared>> -> memref<128x128xf32, #tpu.memory_space<vmem_shared>>
      %dma_start3A_38 = arith.constant 0 : i32
      %dma_start3A_39 = tpu.memref_slice %arg9[%add3A_13, %dma_start3A_38] : memref<10112x128xf32, #tpu.memory_space<vmem_shared>> -> memref<128x128xf32, #tpu.memory_space<vmem_shared>>
      tpu.enqueue_dma source(%arg8 : memref<128x128xf32, #tpu.memory_space<vmem>>) target(%dma_start3A_39 : memref<128x128xf32, #tpu.memory_space<vmem_shared>>) target_semaphore(%run_scoped3A : memref<!tpu.dma_semaphore, #tpu.memory_space<semaphore_mem>>)
      %dma_wait3A = arith.constant 0 : i32
      %dma_wait3A_40 = tpu.memref_slice %arg9[%add3A_13, %dma_wait3A] : memref<10112x128xf32, #tpu.memory_space<vmem_shared>> -> memref<128x128xf32, #tpu.memory_space<vmem_shared>>
      %dma_wait3A_41 = arith.constant 0 : i32
      %dma_wait3A_42 = tpu.memref_slice %arg9[%add3A_13, %dma_wait3A_41] : memref<10112x128xf32, #tpu.memory_space<vmem_shared>> -> memref<128x128xf32, #tpu.memory_space<vmem_shared>>
      tpu.wait_dma2 semaphore(%run_scoped3A : memref<!tpu.dma_semaphore, #tpu.memory_space<semaphore_mem>>) src(%arg8 : memref<128x128xf32, #tpu.memory_space<vmem>>) dst(%dma_wait3A_42 : memref<128x128xf32, #tpu.memory_space<vmem_shared>>)
      tpu.yield
    }) : () -> ()
    %mul3A_14 = arith.constant 632 : i32
    %mul3A_15 = arith.muli %arg1, %mul3A_14 : i32
    %add3A_16 = arith.constant 256 : i32
    %add3A_17 = arith.addi %mul3A_15, %add3A_16 : i32
    "tpu.region"() ({
      %run_scoped3A = tpu.sem_alloc : memref<!tpu.dma_semaphore, #tpu.memory_space<semaphore_mem>>
      %dma_start3A = arith.constant 0 : i32
      %dma_start3A_37 = tpu.memref_slice %arg9[%add3A_17, %dma_start3A] : memref<10112x128xf32, #tpu.memory_space<vmem_shared>> -> memref<128x128xf32, #tpu.memory_space<vmem_shared>>
      %dma_start3A_38 = arith.constant 0 : i32
      %dma_start3A_39 = tpu.memref_slice %arg9[%add3A_17, %dma_start3A_38] : memref<10112x128xf32, #tpu.memory_space<vmem_shared>> -> memref<128x128xf32, #tpu.memory_space<vmem_shared>>
      tpu.enqueue_dma source(%arg8 : memref<128x128xf32, #tpu.memory_space<vmem>>) target(%dma_start3A_39 : memref<128x128xf32, #tpu.memory_space<vmem_shared>>) target_semaphore(%run_scoped3A : memref<!tpu.dma_semaphore, #tpu.memory_space<semaphore_mem>>)
      %dma_wait3A = arith.constant 0 : i32
      %dma_wait3A_40 = tpu.memref_slice %arg9[%add3A_17, %dma_wait3A] : memref<10112x128xf32, #tpu.memory_space<vmem_shared>> -> memref<128x128xf32, #tpu.memory_space<vmem_shared>>
      %dma_wait3A_41 = arith.constant 0 : i32
      %dma_wait3A_42 = tpu.memref_slice %arg9[%add3A_17, %dma_wait3A_41] : memref<10112x128xf32, #tpu.memory_space<vmem_shared>> -> memref<128x128xf32, #tpu.memory_space<vmem_shared>>
      tpu.wait_dma2 semaphore(%run_scoped3A : memref<!tpu.dma_semaphore, #tpu.memory_space<semaphore_mem>>) src(%arg8 : memref<128x128xf32, #tpu.memory_space<vmem>>) dst(%dma_wait3A_42 : memref<128x128xf32, #tpu.memory_space<vmem_shared>>)
      tpu.yield
    }) : () -> ()
    %mul3A_18 = arith.constant 632 : i32
    %mul3A_19 = arith.muli %arg1, %mul3A_18 : i32
    %add3A_20 = arith.constant 384 : i32
    %add3A_21 = arith.addi %mul3A_19, %add3A_20 : i32
    "tpu.region"() ({
      %run_scoped3A = tpu.sem_alloc : memref<!tpu.dma_semaphore, #tpu.memory_space<semaphore_mem>>
      %dma_start3A = arith.constant 0 : i32
      %dma_start3A_37 = tpu.memref_slice %arg9[%add3A_21, %dma_start3A] : memref<10112x128xf32, #tpu.memory_space<vmem_shared>> -> memref<128x128xf32, #tpu.memory_space<vmem_shared>>
      %dma_start3A_38 = arith.constant 0 : i32
      %dma_start3A_39 = tpu.memref_slice %arg9[%add3A_21, %dma_start3A_38] : memref<10112x128xf32, #tpu.memory_space<vmem_shared>> -> memref<128x128xf32, #tpu.memory_space<vmem_shared>>
      tpu.enqueue_dma source(%arg8 : memref<128x128xf32, #tpu.memory_space<vmem>>) target(%dma_start3A_39 : memref<128x128xf32, #tpu.memory_space<vmem_shared>>) target_semaphore(%run_scoped3A : memref<!tpu.dma_semaphore, #tpu.memory_space<semaphore_mem>>)
      %dma_wait3A = arith.constant 0 : i32
      %dma_wait3A_40 = tpu.memref_slice %arg9[%add3A_21, %dma_wait3A] : memref<10112x128xf32, #tpu.memory_space<vmem_shared>> -> memref<128x128xf32, #tpu.memory_space<vmem_shared>>
      %dma_wait3A_41 = arith.constant 0 : i32
      %dma_wait3A_42 = tpu.memref_slice %arg9[%add3A_21, %dma_wait3A_41] : memref<10112x128xf32, #tpu.memory_space<vmem_shared>> -> memref<128x128xf32, #tpu.memory_space<vmem_shared>>
      tpu.wait_dma2 semaphore(%run_scoped3A : memref<!tpu.dma_semaphore, #tpu.memory_space<semaphore_mem>>) src(%arg8 : memref<128x128xf32, #tpu.memory_space<vmem>>) dst(%dma_wait3A_42 : memref<128x128xf32, #tpu.memory_space<vmem_shared>>)
      tpu.yield
    }) : () -> ()
    %mul3A_22 = arith.constant 632 : i32
    %mul3A_23 = arith.muli %arg1, %mul3A_22 : i32
    %add3A_24 = arith.constant 512 : i32
    %add3A_25 = arith.addi %mul3A_23, %add3A_24 : i32
    "tpu.region"() ({
      %run_scoped3A = tpu.sem_alloc : memref<!tpu.dma_semaphore, #tpu.memory_space<semaphore_mem>>
      %dma_start3A = arith.constant 0 : i32
      %dma_start3A_37 = arith.constant 0 : i32
      %dma_start3A_38 = tpu.memref_slice %arg8[%dma_start3A, %dma_start3A_37] : memref<128x128xf32, #tpu.memory_space<vmem>> -> memref<120x128xf32, #tpu.memory_space<vmem>>
      %dma_start3A_39 = arith.constant 0 : i32
      %dma_start3A_40 = tpu.memref_slice %arg9[%add3A_25, %dma_start3A_39] : memref<10112x128xf32, #tpu.memory_space<vmem_shared>> -> memref<120x128xf32, #tpu.memory_space<vmem_shared>>
      %dma_start3A_41 = arith.constant 0 : i32
      %dma_start3A_42 = tpu.memref_slice %arg9[%add3A_25, %dma_start3A_41] : memref<10112x128xf32, #tpu.memory_space<vmem_shared>> -> memref<120x128xf32, #tpu.memory_space<vmem_shared>>
      %dma_start3A_43 = arith.constant 0 : i32
      %dma_start3A_44 = arith.constant 0 : i32
      %dma_start3A_45 = tpu.memref_slice %arg8[%dma_start3A_43, %dma_start3A_44] : memref<128x128xf32, #tpu.memory_space<vmem>> -> memref<120x128xf32, #tpu.memory_space<vmem>>
      tpu.enqueue_dma source(%dma_start3A_45 : memref<120x128xf32, #tpu.memory_space<vmem>>) target(%dma_start3A_42 : memref<120x128xf32, #tpu.memory_space<vmem_shared>>) target_semaphore(%run_scoped3A : memref<!tpu.dma_semaphore, #tpu.memory_space<semaphore_mem>>)
      %dma_wait3A = arith.constant 0 : i32
      %dma_wait3A_46 = arith.constant 0 : i32
      %dma_wait3A_47 = tpu.memref_slice %arg8[%dma_wait3A, %dma_wait3A_46] : memref<128x128xf32, #tpu.memory_space<vmem>> -> memref<120x128xf32, #tpu.memory_space<vmem>>
      %dma_wait3A_48 = arith.constant 0 : i32
      %dma_wait3A_49 = tpu.memref_slice %arg9[%add3A_25, %dma_wait3A_48] : memref<10112x128xf32, #tpu.memory_space<vmem_shared>> -> memref<120x128xf32, #tpu.memory_space<vmem_shared>>
      %dma_wait3A_50 = arith.constant 0 : i32
      %dma_wait3A_51 = tpu.memref_slice %arg9[%add3A_25, %dma_wait3A_50] : memref<10112x128xf32, #tpu.memory_space<vmem_shared>> -> memref<120x128xf32, #tpu.memory_space<vmem_shared>>
      %dma_wait3A_52 = arith.constant 0 : i32
      %dma_wait3A_53 = arith.constant 0 : i32
      %dma_wait3A_54 = tpu.memref_slice %arg8[%dma_wait3A_52, %dma_wait3A_53] : memref<128x128xf32, #tpu.memory_space<vmem>> -> memref<120x128xf32, #tpu.memory_space<vmem>>
      tpu.wait_dma2 semaphore(%run_scoped3A : memref<!tpu.dma_semaphore, #tpu.memory_space<semaphore_mem>>) src(%dma_wait3A_54 : memref<120x128xf32, #tpu.memory_space<vmem>>) dst(%dma_wait3A_51 : memref<120x128xf32, #tpu.memory_space<vmem_shared>>)
      tpu.yield
    }) : () -> ()
    %barrier3A = arith.constant 0 : index
    tpu.barrier barrier_id(%barrier3A)
    "tpu.region"() ({
      %run_scoped3A = tpu.sem_alloc : memref<!tpu.dma_semaphore, #tpu.memory_space<semaphore_mem>>
      %dma_start3A = arith.constant 0 : i32
      %dma_start3A_37 = arith.constant 0 : i32
      %dma_start3A_38 = tpu.memref_slice %arg3[%add3A, %dma_start3A, %dma_start3A_37] : memref<32x79x128xi32, #tpu.memory_space<hbm>> -> memref<1x79x128xi32, #tpu.memory_space<hbm>>
      %dma_start3A_39 = tpu.memref_squeeze %dma_start3A_38 : memref<1x79x128xi32, #tpu.memory_space<hbm>> -> memref<79x128xi32, #tpu.memory_space<hbm>>
      %dma_start3A_40 = arith.constant 0 : i32
      %dma_start3A_41 = arith.constant 0 : i32
      %dma_start3A_42 = tpu.memref_slice %arg3[%add3A, %dma_start3A_40, %dma_start3A_41] : memref<32x79x128xi32, #tpu.memory_space<hbm>> -> memref<1x79x128xi32, #tpu.memory_space<hbm>>
      %dma_start3A_43 = tpu.memref_squeeze %dma_start3A_42 : memref<1x79x128xi32, #tpu.memory_space<hbm>> -> memref<79x128xi32, #tpu.memory_space<hbm>>
      tpu.enqueue_dma source(%dma_start3A_43 : memref<79x128xi32, #tpu.memory_space<hbm>>) target(%arg6 : memref<79x128xi32, #tpu.memory_space<vmem>>) target_semaphore(%run_scoped3A : memref<!tpu.dma_semaphore, #tpu.memory_space<semaphore_mem>>)
      %dma_wait3A = arith.constant 0 : i32
      %dma_wait3A_44 = arith.constant 0 : i32
      %dma_wait3A_45 = tpu.memref_slice %arg3[%add3A, %dma_wait3A, %dma_wait3A_44] : memref<32x79x128xi32, #tpu.memory_space<hbm>> -> memref<1x79x128xi32, #tpu.memory_space<hbm>>
      %dma_wait3A_46 = tpu.memref_squeeze %dma_wait3A_45 : memref<1x79x128xi32, #tpu.memory_space<hbm>> -> memref<79x128xi32, #tpu.memory_space<hbm>>
      %dma_wait3A_47 = arith.constant 0 : i32
      %dma_wait3A_48 = arith.constant 0 : i32
      %dma_wait3A_49 = tpu.memref_slice %arg3[%add3A, %dma_wait3A_47, %dma_wait3A_48] : memref<32x79x128xi32, #tpu.memory_space<hbm>> -> memref<1x79x128xi32, #tpu.memory_space<hbm>>
      %dma_wait3A_50 = tpu.memref_squeeze %dma_wait3A_49 : memref<1x79x128xi32, #tpu.memory_space<hbm>> -> memref<79x128xi32, #tpu.memory_space<hbm>>
      tpu.wait_dma2 semaphore(%run_scoped3A : memref<!tpu.dma_semaphore, #tpu.memory_space<semaphore_mem>>) src(%dma_wait3A_50 : memref<79x128xi32, #tpu.memory_space<hbm>>) dst(%arg6 : memref<79x128xi32, #tpu.memory_space<vmem>>)
      tpu.yield
    }) : () -> ()
    "tpu.region"() ({
      %run_scoped3A = tpu.sem_alloc : memref<!tpu.dma_semaphore, #tpu.memory_space<semaphore_mem>>
      %dma_start3A = arith.constant 0 : i32
      %dma_start3A_37 = arith.constant 0 : i32
      %dma_start3A_38 = tpu.memref_slice %arg4[%add3A, %dma_start3A, %dma_start3A_37] : memref<32x79x128xi32, #tpu.memory_space<hbm>> -> memref<1x79x128xi32, #tpu.memory_space<hbm>>
      %dma_start3A_39 = tpu.memref_squeeze %dma_start3A_38 : memref<1x79x128xi32, #tpu.memory_space<hbm>> -> memref<79x128xi32, #tpu.memory_space<hbm>>
      %dma_start3A_40 = arith.constant 0 : i32
      %dma_start3A_41 = arith.constant 0 : i32
      %dma_start3A_42 = tpu.memref_slice %arg4[%add3A, %dma_start3A_40, %dma_start3A_41] : memref<32x79x128xi32, #tpu.memory_space<hbm>> -> memref<1x79x128xi32, #tpu.memory_space<hbm>>
      %dma_start3A_43 = tpu.memref_squeeze %dma_start3A_42 : memref<1x79x128xi32, #tpu.memory_space<hbm>> -> memref<79x128xi32, #tpu.memory_space<hbm>>
      tpu.enqueue_dma source(%dma_start3A_43 : memref<79x128xi32, #tpu.memory_space<hbm>>) target(%arg7 : memref<79x128xi32, #tpu.memory_space<vmem>>) target_semaphore(%run_scoped3A : memref<!tpu.dma_semaphore, #tpu.memory_space<semaphore_mem>>)
      %dma_wait3A = arith.constant 0 : i32
      %dma_wait3A_44 = arith.constant 0 : i32
      %dma_wait3A_45 = tpu.memref_slice %arg4[%add3A, %dma_wait3A, %dma_wait3A_44] : memref<32x79x128xi32, #tpu.memory_space<hbm>> -> memref<1x79x128xi32, #tpu.memory_space<hbm>>
      %dma_wait3A_46 = tpu.memref_squeeze %dma_wait3A_45 : memref<1x79x128xi32, #tpu.memory_space<hbm>> -> memref<79x128xi32, #tpu.memory_space<hbm>>
      %dma_wait3A_47 = arith.constant 0 : i32
      %dma_wait3A_48 = arith.constant 0 : i32
      %dma_wait3A_49 = tpu.memref_slice %arg4[%add3A, %dma_wait3A_47, %dma_wait3A_48] : memref<32x79x128xi32, #tpu.memory_space<hbm>> -> memref<1x79x128xi32, #tpu.memory_space<hbm>>
      %dma_wait3A_50 = tpu.memref_squeeze %dma_wait3A_49 : memref<1x79x128xi32, #tpu.memory_space<hbm>> -> memref<79x128xi32, #tpu.memory_space<hbm>>
      tpu.wait_dma2 semaphore(%run_scoped3A : memref<!tpu.dma_semaphore, #tpu.memory_space<semaphore_mem>>) src(%dma_wait3A_50 : memref<79x128xi32, #tpu.memory_space<hbm>>) dst(%arg7 : memref<79x128xi32, #tpu.memory_space<vmem>>)
      tpu.yield
    }) : () -> ()
    %scan3A_26 = arith.constant 0 : i32
    %scan3A_27 = arith.constant 0 : i32
    %scan3A_28 = arith.constant 79 : i32
    %scan3A_29 = arith.addi %scan3A_27, %scan3A_28 : i32
    %scan3A_30 = arith.constant 1 : i32
    scf.for %scan3A_37 = %scan3A_27 to %scan3A_29 step %scan3A_30  : i32 {
      %dma_start3A = arith.constant 0 : i32
      %dma_start3A_38 = tpu.memref_slice %arg6[%scan3A_37, %dma_start3A] : memref<79x128xi32, #tpu.memory_space<vmem>> -> memref<1x128xi32, #tpu.memory_space<vmem>>
      %dma_start3A_39 = tpu.memref_squeeze %dma_start3A_38 : memref<1x128xi32, #tpu.memory_space<vmem>> -> memref<128xi32, #tpu.memory_space<vmem>>
      %dma_start3A_40 = arith.constant 0 : i32
      %dma_start3A_41 = arith.constant 0 : i32
      %dma_start3A_42 = tpu.memref_slice %arg2[%dma_start3A_40, %dma_start3A_41] : memref<10000x128xf32, #tpu.memory_space<hbm>> -> memref<10000x128xf32, #tpu.memory_space<hbm>>
      tpu.enqueue_indirect_dma source(%dma_start3A_42 : memref<10000x128xf32, #tpu.memory_space<hbm>>) target(%arg8 : memref<128x128xf32, #tpu.memory_space<vmem>>) offsets(%dma_start3A_39 : memref<128xi32, #tpu.memory_space<vmem>>) semaphore(%arg10 : memref<!tpu.dma_semaphore, #tpu.memory_space<semaphore_mem>>)
      %dma_wait3A = arith.constant 0 : i32
      %dma_wait3A_43 = tpu.memref_slice %arg6[%scan3A_37, %dma_wait3A] : memref<79x128xi32, #tpu.memory_space<vmem>> -> memref<1x128xi32, #tpu.memory_space<vmem>>
      %dma_wait3A_44 = tpu.memref_squeeze %dma_wait3A_43 : memref<1x128xi32, #tpu.memory_space<vmem>> -> memref<128xi32, #tpu.memory_space<vmem>>
      %dma_wait3A_45 = arith.constant 0 : i32
      %dma_wait3A_46 = arith.constant 0 : i32
      %dma_wait3A_47 = tpu.memref_slice %arg2[%dma_wait3A_45, %dma_wait3A_46] : memref<10000x128xf32, #tpu.memory_space<hbm>> -> memref<10000x128xf32, #tpu.memory_space<hbm>>
      tpu.wait_indirect_dma semaphore(%arg10 : memref<!tpu.dma_semaphore, #tpu.memory_space<semaphore_mem>>) src(%dma_wait3A_47 : memref<10000x128xf32, #tpu.memory_space<hbm>>) dst(%arg8 : memref<128x128xf32, #tpu.memory_space<vmem>>)
      "tpu.region"() ({
        %run_scoped3A = tpu.sem_alloc : memref<!tpu.dma_semaphore, #tpu.memory_space<semaphore_mem>>
        %dma_start3A_48 = arith.constant 0 : i32
        %dma_start3A_49 = tpu.memref_slice %arg7[%scan3A_37, %dma_start3A_48] : memref<79x128xi32, #tpu.memory_space<vmem>> -> memref<1x128xi32, #tpu.memory_space<vmem>>
        %dma_start3A_50 = tpu.memref_squeeze %dma_start3A_49 : memref<1x128xi32, #tpu.memory_space<vmem>> -> memref<128xi32, #tpu.memory_space<vmem>>
        %dma_start3A_51 = arith.constant 0 : i32
        %dma_start3A_52 = arith.constant 0 : i32
        %dma_start3A_53 = tpu.memref_slice %arg9[%dma_start3A_51, %dma_start3A_52] : memref<10112x128xf32, #tpu.memory_space<vmem_shared>> -> memref<10112x128xf32, #tpu.memory_space<vmem_shared>>
        tpu.enqueue_indirect_dma source(%arg8 : memref<128x128xf32, #tpu.memory_space<vmem>>) target(%dma_start3A_53 : memref<10112x128xf32, #tpu.memory_space<vmem_shared>>) offsets(%dma_start3A_50 : memref<128xi32, #tpu.memory_space<vmem>>) semaphore(%run_scoped3A : memref<!tpu.dma_semaphore, #tpu.memory_space<semaphore_mem>>) {add = true}
        %dma_wait3A_54 = arith.constant 0 : i32
        %dma_wait3A_55 = tpu.memref_slice %arg7[%scan3A_37, %dma_wait3A_54] : memref<79x128xi32, #tpu.memory_space<vmem>> -> memref<1x128xi32, #tpu.memory_space<vmem>>
        %dma_wait3A_56 = tpu.memref_squeeze %dma_wait3A_55 : memref<1x128xi32, #tpu.memory_space<vmem>> -> memref<128xi32, #tpu.memory_space<vmem>>
        %dma_wait3A_57 = arith.constant 0 : i32
        %dma_wait3A_58 = arith.constant 0 : i32
        %dma_wait3A_59 = tpu.memref_slice %arg9[%dma_wait3A_57, %dma_wait3A_58] : memref<10112x128xf32, #tpu.memory_space<vmem_shared>> -> memref<10112x128xf32, #tpu.memory_space<vmem_shared>>
        tpu.wait_indirect_dma semaphore(%run_scoped3A : memref<!tpu.dma_semaphore, #tpu.memory_space<semaphore_mem>>) src(%arg8 : memref<128x128xf32, #tpu.memory_space<vmem>>) dst(%dma_wait3A_59 : memref<10112x128xf32, #tpu.memory_space<vmem_shared>>)
        tpu.yield
      }) : () -> ()
    }
    %scan3A_31 = arith.constant 79 : i32
    %barrier3A_32 = arith.constant 0 : index
    tpu.barrier barrier_id(%barrier3A_32)
    %mul3A_33 = arith.constant 632 : i32
    %mul3A_34 = arith.muli %arg1, %mul3A_33 : i32
    %mul3A_35 = arith.constant 632 : i32
    %mul3A_36 = arith.muli %arg1, %mul3A_35 : i32
    "tpu.region"() ({
      %run_scoped3A = tpu.sem_alloc : memref<!tpu.dma_semaphore, #tpu.memory_space<semaphore_mem>>
      %dma_start3A = arith.constant 0 : i32
      %dma_start3A_37 = tpu.memref_slice %arg5[%arg0, %mul3A_36, %dma_start3A] : memref<2x10112x128xf32, #tpu.memory_space<hbm>> -> memref<1x632x128xf32, #tpu.memory_space<hbm>>
      %dma_start3A_38 = tpu.memref_squeeze %dma_start3A_37 : memref<1x632x128xf32, #tpu.memory_space<hbm>> -> memref<632x128xf32, #tpu.memory_space<hbm>>
      %dma_start3A_39 = arith.constant 0 : i32
      %dma_start3A_40 = tpu.memref_slice %arg9[%mul3A_34, %dma_start3A_39] : memref<10112x128xf32, #tpu.memory_space<vmem_shared>> -> memref<632x128xf32, #tpu.memory_space<vmem_shared>>
      tpu.enqueue_dma source(%dma_start3A_40 : memref<632x128xf32, #tpu.memory_space<vmem_shared>>) target(%dma_start3A_38 : memref<632x128xf32, #tpu.memory_space<hbm>>) target_semaphore(%run_scoped3A : memref<!tpu.dma_semaphore, #tpu.memory_space<semaphore_mem>>)
      %dma_wait3A = arith.constant 0 : i32
      %dma_wait3A_41 = tpu.memref_slice %arg5[%arg0, %mul3A_36, %dma_wait3A] : memref<2x10112x128xf32, #tpu.memory_space<hbm>> -> memref<1x632x128xf32, #tpu.memory_space<hbm>>
      %dma_wait3A_42 = tpu.memref_squeeze %dma_wait3A_41 : memref<1x632x128xf32, #tpu.memory_space<hbm>> -> memref<632x128xf32, #tpu.memory_space<hbm>>
      %dma_wait3A_43 = arith.constant 0 : i32
      %dma_wait3A_44 = tpu.memref_slice %arg9[%mul3A_34, %dma_wait3A_43] : memref<10112x128xf32, #tpu.memory_space<vmem_shared>> -> memref<632x128xf32, #tpu.memory_space<vmem_shared>>
      tpu.wait_dma2 semaphore(%run_scoped3A : memref<!tpu.dma_semaphore, #tpu.memory_space<semaphore_mem>>) src(%dma_wait3A_44 : memref<632x128xf32, #tpu.memory_space<vmem_shared>>) dst(%dma_wait3A_42 : memref<632x128xf32, #tpu.memory_space<hbm>>)
      tpu.yield
    }) : () -> ()
    return
  }
}

module attributes {stable_mosaic.version = 14 : i64} {
  func.func @body(%arg0: i32, %arg1: memref<2x1000x128xf32, #tpu.memory_space<vmem>>, %arg2: memref<1000x128xf32, #tpu.memory_space<vmem>>, %arg3: memref<1000x1xf32, #tpu.memory_space<vmem>>, %arg4: memref<128x128xf32, #tpu.memory_space<vmem>>, %arg5: memref<128x128xf32, #tpu.memory_space<vmem>>, %arg6: memref<1000x128xf32, #tpu.memory_space<vmem>>) attributes {dimension_semantics = [#tpu.dimension_semantics<arbitrary>], iteration_bounds = array<i64: 10>, scalar_prefetch = 0 : i64, scratch_operands = 0 : i64, tpu.core_type = #tpu.core_type<tc>, window_params = [{transform_indices = @transform_0, window_bounds = array<i64: 2, 1000, 128>}, {transform_indices = @transform_1, window_bounds = array<i64: 1000, 128>}, {transform_indices = @transform_2, window_bounds = array<i64: 1000, 1>}, {pipeline_mode = #tpu.pipeline_mode<synchronous>, transform_indices = @transform_3, window_bounds = array<i64: 128, 128>}, {pipeline_mode = #tpu.pipeline_mode<synchronous>, transform_indices = @transform_4, window_bounds = array<i64: 128, 128>}, {transform_indices = @transform_5, window_bounds = array<i64: 1000, 128>}]} {
    %get3A = arith.constant 0 : index
    %get3A_0 = arith.constant 0 : index
    %get3A_1 = arith.constant 0 : index
    %get3A_2 = vector.load %arg1[%get3A, %get3A_0, %get3A_1] : memref<2x1000x128xf32, #tpu.memory_space<vmem>>, vector<1x1000x128xf32>
    %get3A_3 = vector.shape_cast %get3A_2 : vector<1x1000x128xf32> to vector<1000x128xf32>
    %get3A_4 = arith.constant 1 : index
    %get3A_5 = arith.constant 0 : index
    %get3A_6 = arith.constant 0 : index
    %get3A_7 = vector.load %arg1[%get3A_4, %get3A_5, %get3A_6] : memref<2x1000x128xf32, #tpu.memory_space<vmem>>, vector<1x1000x128xf32>
    %get3A_8 = vector.shape_cast %get3A_7 : vector<1x1000x128xf32> to vector<1000x128xf32>
    %add3A = arith.addf %get3A_3, %get3A_8 : vector<1000x128xf32>
    %get3A_9 = arith.constant 0 : index
    %get3A_10 = arith.constant 0 : index
    %get3A_11 = vector.load %arg3[%get3A_9, %get3A_10] : memref<1000x1xf32, #tpu.memory_space<vmem>>, vector<1000x1xf32>
    %max3A = arith.constant 1.000000e+00 : f32
    %max3A_12 = vector.broadcast %max3A : f32 to vector<1000x1xf32>
    %max3A_13 = arith.maximumf %get3A_11, %max3A_12 : vector<1000x1xf32>
    %div3A = arith.constant 1.000000e+00 : f32
    %div3A_14 = vector.broadcast %div3A : f32 to vector<1000x1xf32>
    %div3A_15 = arith.divf %div3A_14, %max3A_13 : vector<1000x1xf32>
    %mul3A = vector.broadcast %div3A_15 : vector<1000x1xf32> to vector<1000x128xf32>
    %mul3A_16 = arith.mulf %add3A, %mul3A : vector<1000x128xf32>
    %get3A_17 = arith.constant 0 : index
    %get3A_18 = arith.constant 0 : index
    %get3A_19 = vector.load %arg4[%get3A_17, %get3A_18] : memref<128x128xf32, #tpu.memory_space<vmem>>, vector<128x128xf32>
    %dot_general3A = arith.constant dense<0.000000e+00> : vector<1000x128xf32>
    %dot_general3A_20 = tpu.matmul %mul3A_16, %get3A_19, %dot_general3A {dimension_numbers = #tpu.dot_dimension_numbers<[1], [0], [0], [1], [0, 0, 1, 1], [], []>, transpose_lhs_hint = false} : vector<1000x128xf32>, vector<128x128xf32>, vector<1000x128xf32> -> vector<1000x128xf32>
    %get3A_21 = arith.constant 0 : index
    %get3A_22 = arith.constant 0 : index
    %get3A_23 = vector.load %arg2[%get3A_21, %get3A_22] : memref<1000x128xf32, #tpu.memory_space<vmem>>, vector<1000x128xf32>
    %get3A_24 = arith.constant 0 : index
    %get3A_25 = arith.constant 0 : index
    %get3A_26 = vector.load %arg5[%get3A_24, %get3A_25] : memref<128x128xf32, #tpu.memory_space<vmem>>, vector<128x128xf32>
    %dot_general3A_27 = arith.constant dense<0.000000e+00> : vector<1000x128xf32>
    %dot_general3A_28 = tpu.matmul %get3A_23, %get3A_26, %dot_general3A_27 {dimension_numbers = #tpu.dot_dimension_numbers<[1], [0], [0], [1], [0, 0, 1, 1], [], []>, transpose_lhs_hint = false} : vector<1000x128xf32>, vector<128x128xf32>, vector<1000x128xf32> -> vector<1000x128xf32>
    %add3A_29 = arith.addf %dot_general3A_20, %dot_general3A_28 : vector<1000x128xf32>
    %max3A_30 = arith.constant 0.000000e+00 : f32
    %max3A_31 = vector.broadcast %max3A_30 : f32 to vector<1000x128xf32>
    %max3A_32 = arith.maximumf %add3A_29, %max3A_31 : vector<1000x128xf32>
    %mul3A_33 = arith.mulf %max3A_32, %max3A_32 : vector<1000x128xf32>
    %reduce_sum3A = arith.constant dense<0.000000e+00> : vector<1000xf32>
    %reduce_sum3A_34 = vector.multi_reduction <add>, %mul3A_33, %reduce_sum3A [1] : vector<1000x128xf32> to vector<1000xf32>
    %broadcast_in_dim3A = vector.shape_cast %reduce_sum3A_34 : vector<1000xf32> to vector<1000x1xf32>
    %sqrt3A = math.sqrt %broadcast_in_dim3A : vector<1000x1xf32>
    %max3A_35 = arith.constant 9.99999996E-13 : f32
    %max3A_36 = vector.broadcast %max3A_35 : f32 to vector<1000x1xf32>
    %max3A_37 = arith.maximumf %sqrt3A, %max3A_36 : vector<1000x1xf32>
    %div3A_38 = vector.broadcast %max3A_37 : vector<1000x1xf32> to vector<1000x128xf32>
    %div3A_39 = arith.divf %max3A_32, %div3A_38 : vector<1000x128xf32>
    %swap3A = arith.constant 0 : index
    %swap3A_40 = arith.constant 0 : index
    %swap3A_41 = vector.load %arg6[%swap3A, %swap3A_40] : memref<1000x128xf32, #tpu.memory_space<vmem>>, vector<1000x128xf32>
    tpu.vector_store %arg6[%swap3A, %swap3A_40], %div3A_39 {strides = array<i32>} : memref<1000x128xf32, #tpu.memory_space<vmem>>, vector<1000x128xf32>,
    return
  }
  func.func @transform_0(%arg0: i32) -> (i32, i32, i32) {
    %c0_i32 = arith.constant 0 : i32
    %c0_i32_0 = arith.constant 0 : i32
    %c0_i32_1 = arith.constant 0 : i32
    return %c0_i32, %arg0, %c0_i32_0 : i32, i32, i32
  }
  func.func @transform_1(%arg0: i32) -> (i32, i32) {
    %c0_i32 = arith.constant 0 : i32
    %c0_i32_0 = arith.constant 0 : i32
    return %arg0, %c0_i32 : i32, i32
  }
  func.func @transform_2(%arg0: i32) -> (i32, i32) {
    %c0_i32 = arith.constant 0 : i32
    %c0_i32_0 = arith.constant 0 : i32
    return %arg0, %c0_i32 : i32, i32
  }
  func.func @transform_3(%arg0: i32) -> (i32, i32) {
    %c0_i32 = arith.constant 0 : i32
    %c0_i32_0 = arith.constant 0 : i32
    %c0_i32_1 = arith.constant 0 : i32
    return %c0_i32, %c0_i32_0 : i32, i32
  }
  func.func @transform_4(%arg0: i32) -> (i32, i32) {
    %c0_i32 = arith.constant 0 : i32
    %c0_i32_0 = arith.constant 0 : i32
    %c0_i32_1 = arith.constant 0 : i32
    return %c0_i32, %c0_i32_0 : i32, i32
  }
  func.func @transform_5(%arg0: i32) -> (i32, i32) {
    %c0_i32 = arith.constant 0 : i32
    %c0_i32_0 = arith.constant 0 : i32
    return %arg0, %c0_i32 : i32, i32
  }
}

</mosaic_0001>

<sc_bundles>
// kernel: kernel.4.cloned.1.call-start
scs
__scs_entry_jumppad:
0x0: {  	(pc) =	sbr.rel $0x88, $3  }
0x1: {  	(tag) =	ssettag $0x0;
	lr =	simm.s32 $0x1  }
0x2: {  	[smem:$0x3F9D] =	sst lr;
	_ =	strace $0xD0000000  }
0x3: {  	_ = 	snop  }
0x4: {  	_ = 	snop  }
0x5: {  	_ = 	snop  }
0x6: {  	_ = 	snop  }
0x7: {  	_ = 	snop  }
__scs_overlays_trampoline_lowered:
0x8: {  	[smem:$0x3FAC] =	sst s0  }
0x9: {  	[smem:$0x3FAD] =	sst s1  }
0xa: {  	[smem:$0x3FAE] =	sst s2  }
0xb: {  	[smem:$0x3FAF] =	sst s3  }
0xc: {  	[smem:$0x3FB0] =	sst s4  }
0xd: {  	[smem:$0x3FB1] =	sst s5  }
0xe: {  	[smem:$0x3FB2] =	sst s6  }
0xf: {  	[smem:$0x3FB3] =	sst s7  }
0x10: {  	[smem:$0x3FB4] =	sst s8  }
0x11: {  	[smem:$0x3FB5] =	sst s9;
	s0 =	simm.s32 @!p0 $0x0  }
0x12: {  	s1 =	sld [smem:$0x3F9B];
	s0 =	simm.s32 @p0 $0x1  }
0x13: {  	[smem:$0x3FB6] =	sst s0;
	s0 =	simm.s32 @!p1 $0x0  }
0x14: {  	s2 =	sld [smem:$0x3F9A];
	s0 =	simm.s32 @p1 $0x1  }
0x15: {  	[smem:$0x3FB7] =	sst s0;
	s0 =	simm.s32 @!p2 $0x0  }
0x16: {  	s3 =	sld [smem:$0x3FDB];
	s0 =	simm.s32 @p2 $0x1  }
0x17: {  	s4 =	simm.s32 $0x1BF5;
	[smem:$0x3FB9] =	sst s0  }
0x18: {  	s0 =	sld [smem:$0x3F9C];
	_ =	swait.ge [sflag:s4], $0x0  }
0x19: {  	s7 =	sld [smem:$0x3F9D]  }
0x1a: {  	s8 =	sadd.s32 $0xFFFFE003, lr  }
0x1b: {  	s9 =	sadd.s32 $0xFFFFFEF7, lr;
	s5 =	simm.s32 $0xFFFFFFFF;
	p2 =	slt.u32 s8, $0xFFFFF086  }
0x1c: {  	p1 =	slt.u32 s9, $0xF7A;
	s5 =	simm.s32 @!p2 $0x0  }
0x1d: {  	s5 =	simm.s32 @p1 $0x1;
	p0 =	seq.s32 s7, s2  }
0x1e: {  	s7 =	smul.u32 @!p0 $0xF7A, s2;
	p2 =	seq.s32 @!p0 s5, $0x0  }
0x1f: {  	s9 =	smul.u32 $0xF7A, s1;
	s8 =	simm.s32 @!p0 $0x1BF5;
	p2 =	por !p2, p0  }
0x20: {  	[sflag:s8] =	ssyncset.s32 @!p0 $0xFFFFF086;
	s6 =	sadd.s32 @!p0 s3, s7;
	s7 =	simm.s32 @!p0 $0x108  }
0x21: {  	s3 =	sadd.s32 s3, s9;
	s6 =	sadd.s32 @!p0 $0x88, s6;
	s7 =	simm.s32 @p2 $0x1082  }
0x22: {  	[simem:s7], [sflag:s8] =	dma.local @!p0 [hbm:s6], $0xF7A  }
0x23: {  	s9 =	sor.u32 $0xD0000000, s2;
	s6 =	simm.s32 $0x108;
	_ =	swait.ge @!p0 [sflag:s8], $0x0  }
0x24: {  	s3 =	sadd.s32 $0x88, s3;
	s6 =	simm.s32 @!p1 $0x1082;
	[sflag:s4] =	ssyncset.s32 $0xFFFFF086  }
0x25: {  	[simem:s6], [sflag:s4] =	dma.local [hbm:s3], $0xF7A  }
0x26: {  	[smem:$0x3F9D] =	sst s1;
	(tag) =	ssettag s2;
	_ =	strace s9  }
0x27: {  	s1 =	sld [smem:$0x3FAD]  }
0x28: {  	s2 =	sld [smem:$0x3FAE]  }
0x29: {  	s4 =	sld [smem:$0x3FB0]  }
0x2a: {  	p0 =	seq.s32 s5, $0x0;
	s5 =	sld [smem:$0x3FB1]  }
0x2b: {  	s6 =	sld [smem:$0x3FB2]  }
0x2c: {  	s7 =	sld [smem:$0x3FB3]  }
0x2d: {  	s3 =	simm.s32 $0x108;
	s8 =	sld [smem:$0x3FB4]  }
0x2e: {  	s3 =	simm.s32 @!p0 $0x1082;
	s9 =	sld [smem:$0x3FB5]  }
0x2f: {  	lr =	sadd.s32 s0, s3;
	s0 =	sld [smem:$0x3FAC]  }
0x30: {  	s3 =	sld [smem:$0x3FAF]  }
0x31: {  	[smem:$0x3FB8] =	sst s10  }
0x32: {  	s10 =	sld [smem:$0x3FB6];
	_ =	sdelay $0x3  }
0x33: {  	p0 =	seq.s32 s10, $0x1;
	s10 =	sld [smem:$0x3FB8];
	_ =	sdelay $0x3  }
0x34: {  	[smem:$0x3FB8] =	sst s10  }
0x35: {  	s10 =	sld [smem:$0x3FB7];
	_ =	sdelay $0x3  }
0x36: {  	p1 =	seq.s32 s10, $0x1;
	s10 =	sld [smem:$0x3FB8];
	_ =	sdelay $0x3  }
0x37: {  	[smem:$0x3FB8] =	sst s10  }
0x38: {  	s10 =	sld [smem:$0x3FB9]  }
0x39: {  	_ = 	snop;
	(pc) =	sbr.ind lr, $3  }
0x3a: {  	_ = 	snop  }
0x3b: {  	_ = 	snop  }
0x3c: {  	p2 =	seq.s32 s10, $0x1;
	s10 =	sld [smem:$0x3FB8]  }
0x3d: {  	_ =	shalt  }
0x3e: {  	_ =	shalt  }
0x3f: {  	_ =	shalt  }
0x40: {  	_ =	shalt  }
0x41: {  	_ =	shalt  }
0x42: {  	_ =	shalt  }
0x43: {  	_ =	shalt  }
0x44: {  	_ =	shalt  }
0x45: {  	_ =	shalt  }
0x46: {  	_ =	shalt  }
0x47: {  	_ =	shalt  }
0x48: {  	_ =	shalt  }
0x49: {  	_ =	shalt  }
0x4a: {  	_ =	shalt  }
0x4b: {  	_ =	shalt  }
0x4c: {  	_ =	shalt  }
0x4d: {  	_ =	shalt  }
0x4e: {  	_ =	shalt  }
0x4f: {  	_ =	shalt  }
0x50: {  	_ =	shalt  }
0x51: {  	_ =	shalt  }
0x52: {  	_ =	shalt  }
0x53: {  	_ =	shalt  }
0x54: {  	_ =	shalt  }
0x55: {  	_ =	shalt  }
0x56: {  	_ =	shalt  }
0x57: {  	_ =	shalt  }
0x58: {  	_ =	shalt  }
0x59: {  	_ =	shalt  }
0x5a: {  	_ =	shalt  }
0x5b: {  	_ =	shalt  }
0x5c: {  	_ =	shalt  }
0x5d: {  	_ =	shalt  }
0x5e: {  	_ =	shalt  }
0x5f: {  	_ =	shalt  }
0x60: {  	_ =	shalt  }
0x61: {  	_ =	shalt  }
0x62: {  	_ =	shalt  }
0x63: {  	_ =	shalt  }
0x64: {  	_ =	shalt  }
0x65: {  	_ =	shalt  }
0x66: {  	_ =	shalt  }
0x67: {  	_ =	shalt  }
0x68: {  	_ =	shalt  }
0x69: {  	_ =	shalt  }
0x6a: {  	_ =	shalt  }
0x6b: {  	_ =	shalt  }
0x6c: {  	_ =	shalt  }
0x6d: {  	_ =	shalt  }
0x6e: {  	_ =	shalt  }
0x6f: {  	_ =	shalt  }
0x70: {  	_ =	shalt  }
0x71: {  	_ =	shalt  }
0x72: {  	_ =	shalt  }
0x73: {  	_ =	shalt  }
0x74: {  	_ =	shalt  }
0x75: {  	_ =	shalt  }
0x76: {  	_ =	shalt  }
0x77: {  	_ =	shalt  }
0x78: {  	_ =	shalt  }
0x79: {  	_ =	shalt  }
0x7a: {  	_ =	shalt  }
0x7b: {  	_ =	shalt  }
0x7c: {  	_ =	shalt  }
0x7d: {  	_ =	shalt  }
0x7e: {  	_ =	shalt  }
0x7f: {  	_ =	shalt  }
0x80: {  	_ =	shalt  }
0x81: {  	_ =	shalt  }
0x82: {  	_ =	shalt  }
0x83: {  	_ =	shalt  }
0x84: {  	_ =	shalt  }
0x85: {  	_ =	shalt  }
0x86: {  	_ =	shalt  }
0x87: {  	_ =	shalt  }
.Lfunc_end0:
.L_simem_size_0:
called_computation_lowered:
.L_overlay_start_0:
0x88: {  	s2 =	sld [smem:$0x3FD9]  }
0x89: {  	s3 =	sld [smem:$0x3FFE];
	_ =	sdelay $0x1  }
0x8a: {  	s1 =	srdreg.scid  }
0x8b: {  	s0 =	sand.u32 $0x1, s1  }
0x8c: {  	s17 =	sshll.u32 s0, $0xA;
	s2 =	sadd.s32 s3, s2  }
0x8d: {  	s2 =	sadd.s32 s2, s17  }
0x8e: {  	[smem:$0x3FC4] =	sst s2  }
0x8f: {  	_ = 	snop  }
0x90: {  	s2 =	sld [smem:$0x3FC9]  }
0x91: {  	s18 =	sld [smem:$0x3FD0];
	(tm) =	ssettm $0x1  }
0x92: {  	s4 =	sld [smem:$0x3FFB];
	_ =	sdelay $0x3  }
0x93: {  	_ =	strace s4  }
0x94: {  	s4 =	sld [smem:$0x3FFC];
	_ =	sdelay $0x3  }
0x95: {  	_ =	strace s4  }
0x96: {  	s4 =	sld [smem:$0x3FFD];
	_ =	sdelay $0x3  }
0x97: {  	_ =	strace s4  }
0x98: {  	_ =	strace $0x8FFFFFFF  }
0x99: {  	s19 =	sld [smem:$0x3FDB];
	_ =	sdelay $0x1  }
0x9a: {  	s5 =	simm.s32 $_scs_section_size  }
0x9b: {  	s6 =	simm.s32 $_size__tile_overlayer_lowered;
	s7 =	simm.s32 $_tile_overlayer_lowered  }
0x9c: {  	s22 =	simm.s32 $0x1BFF;
	s21 =	sshll.u32 s7, $0x1;
	s4 =	sadd.s32 s5, s19  }
0x9d: {  	s8 =	simm.s32 $0x0;
	s20 =	sshll.u32 s6, $0x1;
	s6 =	sadd.s32 s21, s4  }
0x9e: {  	[timem:s8], [sflag:s22] =	dma.local [hbm:s6], s20  }
0x9f: {  	_ =	swait.ge [sflag:s22], s20  }
0xa0: {  	s5 =	ssub.s32 $0x0, s20;
	[sflag:s22] =	ssyncset.done $0x0  }
0xa1: {  	[sflag:s22] =	ssyncadd.s32 s5;
	_ =	sdelay $0x1  }
0xa2: {  	s23 =	simm.s32 $0x1B8B  }
0xa3: {  	_ =	swait.ge [sflag:s23], $0x1  }
0xa4: {  	[sflag:s23] =	ssyncset.done $0x0  }
0xa5: {  	s25 =	simm.s32 $0x1B8E;
	s24 =	sld [smem:$0x3FFE];
	[sflag:s23] =	ssyncadd.s32 $0xFFFFFFFF  }
0xa6: {  	s26 =	simm.s32 $execute0_lowered;
	[smem:$0x3FD2] =	sst s25  }
0xa7: {  	s6 =	sshll.u32 s26, $0x1;
	_ =	strace $0x80000046;
	[dreg:$0x1] =	wrdreg $0xFFFFFFFF  }
0xa8: {  	s28 =	simm.s32 $_size_execute0_lowered;
	s4 =	sadd.s32 s4, s6;
	[dreg:$0x0] =	wrdreg $0x0  }
0xa9: {  	s6 =	sshll.u32 s28, $0x1;
	[dreg:$0x2] =	wrdreg s4  }
0xaa: {  	[dreg:$0x3] =	wrdreg s6  }
0xab: {  	[dreg:$0x4] =	wrdreg $0xC0  }
0xac: {  	_ =	task [dreg:s8], $0x5FFFF  }
0xad: {  	[dreg:$0x1] =	wrdreg $0xFFFFFFFF  }
0xae: {  	[dreg:$0x0] =	wrdreg $0x60  }
0xaf: {  	[dreg:$0x2] =	wrdreg s2  }
0xb0: {  	[dreg:$0x3] =	wrdreg s18  }
0xb1: {  	[dreg:$0x4] =	wrdreg s24  }
0xb2: {  	[dreg:$0x5] =	wrdreg $0x90000  }
0xb3: {  	[dreg:$0x6] =	wrdreg $0x9  }
0xb4: {  	_ =	task.clear_ibuf [dreg:s8], $0x7FFFF;
	_ =	strace $0x90000046  }
0xb5: {  	s29 =	simm.s32 $0x9;
	_ =	strace $0x80000048  }
0xb6: {  	_ =	swait.ge [sflag:s29], $0x1  }
0xb7: {  	[sflag:s29] =	ssyncadd.s32 $0xFFFFFFFF  }
0xb8: {  	_ =	strace $0x90000048  }
0xb9: {  	_ =	sfence  }
0xba: {  	s30 =	sld [smem:$0x0];
	_ =	sdelay $0x2  }
0xbb: {  	s31 =	sshll.u32 s1, $0xD;
	s1 =	sshrl.u32 s1, $0x2  }
0xbc: {  	s3 =	sand.u32 $0x4000, s31;
	s1 =	sadd.s32 s1, s30  }
0xbd: {  	s0 =	sor.u32 s3, s0;
	s1 =	sshll.u32 s1, $0x11  }
0xbe: {  	s0 =	sor.u32 s1, s0  }
0xbf: {  	s0 =	sadd.s32 $0x8F2B, s0  }
0xc0: {  	[sflag:s0] =	ssyncadd.remote.s32 $0x1  }
0xc1: {  	_ =	sfence.sel $0xFFFF  }
0xc2: {  	[dreg:$0x0] =	wrdreg $0xFFFFFFFF;
	(pc) =	sbr.abs _section_cstart, $3  }
0xc3: {  	[dreg:$0x1] =	wrdreg $0xFFFFFFFF  }
0xc4: {  	_ =	task.clear_ibuf [dreg:s8], $0x2FFFF;
	_ =	strace $0x9FFFFFFF  }
0xc5: {  	(tm) =	ssettm $0x7FFFFFFF  }
tec
execute0_lowered:
.L_overlay_start_1:
0x0: {  	(tag) =	ssettag $0x1  }
0x1: {  	s1 =	rddreg [dreg:$0x0]  }
0x2: {  	s10 =	rddreg [dreg:$0x1]  }
0x3: {  	s0 =	srdreg.scid;
	s6 =	rddreg [dreg:$0x2]  }
0x4: {  	s3 =	rddreg [dreg:$0x3];
	s4 =	simm.s32 $0x0;
	s15 =	simm.s32 $0x2  }
0x5: {  	s16 =	simm.s32 $0x2800;
	s17 =	simm.s32 $0x80;
	s5 =	sand.u32 $0x1, s0  }
0x6: {  	s18 =	simm.s32 $0x1;
	s0 =	stileid.u32;
	s7 =	smul.u32 $0x13C000, s5  }
0x7: {  	s21 =	simm.s32 $0x0;
	[smem:$0x7FF] =	sst s4;
	s8 =	smul.u32 $0x13C00, s0  }
0x8: {  	s2 =	sshll.u32 s5, $0x4;
	s9 =	smul.u32 $0x4F000, s0;
	s29 =	ssub.s32 $0x2, s5  }
0x9: {  	s19 =	sshll.u32 s0, $0x6;
	s2 =	sor.u32 s0, s2;
	s31 =	sshrl.u32 s29, $0x1  }
0xa: {  	s19 =	sor.u32 $0x1C02, s19;
	s11 =	smul.u32 $0x500, s2;
	s2 =	rddreg [dreg:$0x4]  }
0xb: {  	_ =	strace $0x80000047;
	s7 =	sadd.s32 s8, s7;
	s30 =	sshrl.u32 s9, $0x2  }
0xc: {  	s14 =	ssub.s32 s29, s31;
	s7 =	sshrl.u32 s7, $0x3;
	s5 =	sadd.s32 s30, s3  }
0xd: {  	s12 =	sadd.s32 s11, s6;
	s13 =	sadd.s32 s7, s6;
	s6 =	sadd.s32 $0x4000, s5  }
0xe: {  	s7 =	sadd.s32 $0x8000, s5;
	s8 =	sadd.s32 $0xC000, s5;
	s9 =	sadd.s32 $0x10000, s5  }
0xf: {  	s10 =	sadd.s32 s10, s11;
	s20 =	sshrl.u32 s5, $0x3;
	s11 =	sadd.s32 $0xC00, s12  }
0x10: {  	v0 =	vimm.f32 $0.0e+00;
	s12 =	sadd.s32 $0xAC00, s13;
	s13 =	smax.u32 s14, $0x1;
	s14 =	simm.s32 $0x5000  }
.LBB2_1:
0x11: {  	s22 =	sand.u32 $0xFE00, s4  }
0x12: {  	s23 =	sand.u32 $0x70, s4;
	s24 =	sshrl.u32 s22, $0x2  }
0x13: {  	s22 =	simm.s32 $0x40;
	s24 =	sor.u32 s23, s24;
	s23 =	simm.s32 $0x0  }
.LBB2_2:
0x14: {  	p0 =	sne.s32 s22, $0xFFC0  }
0x15: {  	[tilespmem:s24+$0x5000] =	vst v0;
	s23 =	sadd.s32 $0x10, s23;
	s24 =	smov.u32 s22;
	s22 =	sadd.s32 $0x40, s22  }
.Ltmp0:
0x16: {  	(pc) =	sbr.rel @p0 .LBB2_2-.Ltmp0, $4  }
0x17: {  	_ = 	snop  }
0x18: {  	s24 =	sand.u32 $0xFE00, s24  }
0x19: {  	s25 =	sand.u32 $0x70, s23;
	s24 =	sshrl.u32 s24, $0x2  }
0x1a: {  	s24 =	sor.u32 s25, s24  }
0x1b: {  	[tilespmem:s24+$0x5000] =	vst v0  }
0x1c: {  	[spmem:s5] =	stream.linear.scatter [tilespmem:s14], [sflag:$0x2], $0x4000, $0x38;
	[tilespmem:$0x1CC00] =	vst v63  }
0x1d: {  	_ =	swait.ge [sflag:s15], $0x4000  }
0x1e: {  	[sflag:s15] =	ssyncset.done $0x0  }
0x1f: {  	[sflag:s15] =	ssyncadd.s32 $0xFFFFC000  }
0x20: {  	[spmem:s6] =	stream.linear.scatter [tilespmem:s14], [sflag:$0x2], $0x4000, $0x38;
	[tilespmem:$0x1CC00] =	vst v63  }
0x21: {  	_ =	swait.ge [sflag:s15], $0x4000  }
0x22: {  	[sflag:s15] =	ssyncset.done $0x0  }
0x23: {  	[sflag:s15] =	ssyncadd.s32 $0xFFFFC000  }
0x24: {  	[spmem:s7] =	stream.linear.scatter [tilespmem:s14], [sflag:$0x2], $0x4000, $0x38;
	[tilespmem:$0x1CC00] =	vst v63  }
0x25: {  	_ =	swait.ge [sflag:s15], $0x4000  }
0x26: {  	[sflag:s15] =	ssyncset.done $0x0  }
0x27: {  	[sflag:s15] =	ssyncadd.s32 $0xFFFFC000  }
0x28: {  	[spmem:s8] =	stream.linear.scatter [tilespmem:s14], [sflag:$0x2], $0x4000, $0x38;
	[tilespmem:$0x1CC00] =	vst v63  }
0x29: {  	_ =	swait.ge [sflag:s15], $0x4000  }
0x2a: {  	[sflag:s15] =	ssyncset.done $0x0  }
0x2b: {  	[sflag:s15] =	ssyncadd.s32 $0xFFFFC000  }
0x2c: {  	[spmem:s9] =	stream.linear.scatter [tilespmem:s14], [sflag:$0x2], $0x3C00, $0x38;
	[tilespmem:$0x1CC00] =	vst v63  }
0x2d: {  	_ =	swait.ge [sflag:s15], $0x3C00  }
0x2e: {  	[sflag:s15] =	ssyncset.done $0x0  }
0x2f: {  	[sflag:s15] =	ssyncadd.s32 $0xFFFFC400  }
0x30: {  	s22 =	simm.s32 $0x0;
	[bflag:$0x0] =	sbarrier.arrive $0xFFFF  }
0x31: {  	[tilespmem:s22], [sflag:$0x2] =	stream.linear.gather [hbm4b:s10+s22], $0x2780, $0x38;
	[tilespmem:$0x1CC00] =	vst v63  }
0x32: {  	_ =	swait.ge [sflag:s15], $0x2780  }
0x33: {  	[sflag:s15] =	ssyncset.done $0x0  }
0x34: {  	[sflag:s15] =	ssyncadd.s32 $0xFFFFD880  }
0x35: {  	[tilespmem:s16], [sflag:$0x2] =	stream.linear.gather [hbm4b:s11+s22], $0x2780, $0x38;
	[tilespmem:$0x1CC00] =	vst v63  }
0x36: {  	_ =	swait.ge [sflag:s15], $0x2780  }
0x37: {  	[sflag:s15] =	ssyncset.done $0x0  }
0x38: {  	s30 =	simm.s32 $0x0;
	[sflag:s15] =	ssyncadd.s32 $0xFFFFD880  }
0x39: {  	[tilespmem:s14], [sflag:$0x1] =	stream.indirect.gather [hbm4b:s1+s17], $0x80, s30, s17, $0xb8;
	[tilespmem:$0x1CC00] =	vst v63  }
0x3a: {  	_ =	swait.ge [sflag:s18], $0x4000  }
0x3b: {  	[sflag:s18] =	ssyncset.done $0x0  }
0x3c: {  	s31 =	simm.s32 $0x2800;
	[sflag:s18] =	ssyncadd.s32 $0xFFFFC000  }
0x3d: {  	[spmem:s3] =	stream.indirect.scatter.add.f32 [tilespmem:s14], [sflag:$0x2], $0x80, s31, s17, $0xb8;
	[tilespmem:$0x1CC00] =	vst v63  }
0x3e: {  	_ =	swait.ge [sflag:s15], $0x4000  }
0x3f: {  	s23 =	simm.s32 $0x400;
	s22 =	simm.s32 $0x200;
	[sflag:s15] =	ssyncset.done $0x0  }
.LBB2_4:
0x40: {  	s24 =	sshra.s32 s22, $0x2  }
0x41: {  	[sflag:s15] =	ssyncadd.s32 $0xFFFFC000;
	s22 =	smov.u32 s23;
	s25 =	sadd.s32 $0x200, s23  }
0x42: {  	[tilespmem:s14], [sflag:$0x1] =	stream.indirect.gather [hbm4b:s1+s17], $0x80, s24, s17, $0xb8;
	[tilespmem:$0x1CC00] =	vst v63  }
0x43: {  	p0 =	sne.s32 s23, $0x9C00;
	_ =	swait.ge [sflag:s18], $0x4000  }
.Ltmp1:
0x44: {  	[sflag:s18] =	ssyncset.done $0x0;
	(pc) =	sbr.rel @p0 .LBB2_4-.Ltmp1, $4  }
0x45: {  	s23 =	sadd.s32 $0x2800, s24;
	[sflag:s18] =	ssyncadd.s32 $0xFFFFC000  }
0x46: {  	[spmem:s3] =	stream.indirect.scatter.add.f32 [tilespmem:s14], [sflag:$0x2], $0x80, s23, s17, $0xb8;
	[tilespmem:$0x1CC00] =	vst v63  }
0x47: {  	_ =	swait.ge [sflag:s15], $0x4000  }
0x48: {  	s23 =	smov.u32 s25;
	[sflag:s15] =	ssyncset.done $0x0  }
0x49: {  	s22 =	sshra.s32 s22, $0x2;
	[sflag:s15] =	ssyncadd.s32 $0xFFFFC000  }
0x4a: {  	[tilespmem:s14], [sflag:$0x1] =	stream.indirect.gather [hbm4b:s1+s17], $0x80, s22, s17, $0xb8;
	[tilespmem:$0x1CC00] =	vst v63  }
0x4b: {  	_ =	swait.ge [sflag:s18], $0x4000  }
0x4c: {  	[sflag:s18] =	ssyncset.done $0x0  }
0x4d: {  	s22 =	sadd.s32 $0x2800, s22;
	[sflag:s18] =	ssyncadd.s32 $0xFFFFC000  }
0x4e: {  	[spmem:s3] =	stream.indirect.scatter.add.f32 [tilespmem:s14], [sflag:$0x2], $0x80, s22, s17, $0xb8;
	[tilespmem:$0x1CC00] =	vst v63  }
0x4f: {  	_ =	swait.ge [sflag:s15], $0x4000  }
0x50: {  	s21 =	sadd.s32 $0x1, s21;
	[sflag:s15] =	ssyncset.done $0x0  }
0x51: {  	p0 =	sne.s32 s21, s13;
	[sflag:s15] =	ssyncadd.s32 $0xFFFFC000  }
.Ltmp2:
0x52: {  	[bflag:$0x0] =	sbarrier.arrive $0xFFFF;
	(pc) =	sbr.rel @p0 .LBB2_1-.Ltmp2, $4  }
0x53: {  	[hbm:s12], [sflag:s19] =	dma.local [spmem:s20], $0x2780  }
0x54: {  	_ =	swait.ge [sflag:s15], $0x2780  }
0x55: {  	[sflag:s15] =	ssyncset.done $0x0  }
0x56: {  	[sflag:s15] =	ssyncadd.s32 $0xFFFFD880  }
0x57: {  	_ =	sfence.sel $0x180000  }
0x58: {  	[bflag:$0x0] =	sbarrier.arrive $0xFFFF  }
0x59: {  	p0 =	sne.s32 s0, $0x0;
	_ =	strace $0x90000047  }
0x5a: {  	s0 =	sadd.s32 @!p0 $0x100000, s2;
	[bflag:$0x2] =	sbarrier.arrive $0xFFFF  }
0x5b: {  	[sflag:s0] =	ssyncadd.tile.s32 @!p0 $0x1;
	_ =	shalt  }
.Lfunc_end2:
_tile_overlayer_lowered:
.L_overlay_start_2:
0x5c: {  	(tag) =	ssettag $0x2  }
0x5d: {  	s0 =	rddreg [dreg:$0x0];
	s2 =	stileid.u32  }
0x5e: {  	s1 =	rddreg [dreg:$0x1];
	p0 =	sne.s32 s2, $0x0  }
0x5f: {  	s3 =	rddreg [dreg:$0x2];
	[bflag:$0x3] =	sbarrier.arrive $0xFFFF;
	s2 =	simm.s32 @!p0 $0x1C02  }
0x60: {  	[timem:s3], [sflag:s2] =	dma.local @!p0 [hbm:s0], s1  }
0x61: {  	s0 =	simm.s32 @!p0 $0x2  }
0x62: {  	_ =	swait.ge @!p0 [sflag:s0], s1  }
0x63: {  	s1 =	ssub.s32 @!p0 $0x0, s1;
	[sflag:s0] =	ssyncset.done @!p0 $0x0  }
0x64: {  	[sflag:s0] =	ssyncadd.s32 @!p0 s1  }
0x65: {  	[bflag:$0x3] =	sbarrier.arrive $0xFFFF  }
0x66: {  	_ =	shalt  }

</sc_bundles>
